<compile_context>
chip_gen: v7x
topology: tpu7x:2x2x1
jax: 0.10.2.dev20260603
libtpu: 0.0.44.dev20260713+nightly
codegen_flags: <defaults>
</compile_context>

<pallas_src>
import jax
import jax.numpy as jnp
from jax import lax
from jax.experimental import pallas as pl
from jax.experimental.pallas import tpu as pltpu
from jax.experimental.pallas import tpu_sc as plsc

DEG = 64
HIDDEN = 128
LANES = 16
N_CHUNKS = HIDDEN // LANES
NW = 4
ROWS_W = DEG // NW


def _sc_body(v_hbm, sel_hbm, out_hbm, idx_v, rows_v, out_v, sem):
    s = lax.axis_index("s")
    w = s

    @pl.when(s < NW)
    def _():
        pltpu.sync_copy(sel_hbm.at[pl.ds(w * ROWS_W, ROWS_W)], idx_v)
        pltpu.async_copy(v_hbm.at[idx_v], rows_v, sem).wait()
        def add_row(i, accs):
            return tuple(accs[j] + rows_v[i, pl.ds(j * LANES, LANES)]
                         for j in range(N_CHUNKS))

        accs = lax.fori_loop(
            0, ROWS_W, add_row,
            tuple(jnp.zeros((LANES,), jnp.float32) for _ in range(N_CHUNKS)))
        for j in range(N_CHUNKS):
            out_v[pl.ds(j * LANES, LANES)] = accs[j]
        pltpu.sync_copy(out_v, out_hbm.at[w])


def _sc_gather_sum(v, sel_masked):
    mesh = plsc.VectorSubcoreMesh(core_axis_name="c", subcore_axis_name="s",
                                  num_cores=1, num_subcores=NW)
    return pl.kernel(
        _sc_body,
        out_type=jax.ShapeDtypeStruct((NW, HIDDEN), jnp.float32),
        mesh=mesh,
        scratch_types=[
            pltpu.VMEM((ROWS_W,), jnp.int32),
            pltpu.VMEM((ROWS_W, HIDDEN), jnp.float32),
            pltpu.VMEM((HIDDEN,), jnp.float32),
            pltpu.SemaphoreType.DMA,
        ],
    )(v, sel_masked)


def _tc_body(parts_ref, v0_ref, times_ref, thr_ref, w0_ref, b0_ref, W_ref,
             B_ref, Wv_ref, bv_ref, term_ref):
    parts = parts_ref[...]
    row_sum = jnp.sum(parts, axis=0, keepdims=True)
    v0 = v0_ref[0:1, :]
    times = times_ref[...]
    maskf = (times <= thr_ref[...]).astype(jnp.float32)
    lin = times * w0_ref[...] + b0_ref[...]
    per = jnp.sin(times * W_ref[...] + B_ref[...])
    z = jnp.concatenate([lin, per], axis=1)
    zm = z * maskf
    t_v_sum = jnp.sum(
        jnp.dot(zm, Wv_ref[...], preferred_element_type=jnp.float32),
        axis=0, keepdims=True)
    cnt_in = jnp.sum(maskf)
    cnt0 = jnp.float32(DEG) - cnt_in
    term_ref[...] = row_sum + t_v_sum + cnt_in * bv_ref[...] - cnt0 * v0


def _tc_time_term(parts, v, times, thr, w0, b0, W, B, Wv, bv):
    return pl.pallas_call(
        _tc_body,
        grid=(1,),
        in_specs=[
            pl.BlockSpec((NW, HIDDEN), lambda i: (0, 0)),
            pl.BlockSpec((8, HIDDEN), lambda i: (0, 0)),
            pl.BlockSpec((DEG, 1), lambda i: (0, 0)),
            pl.BlockSpec((1, 1), lambda i: (0, 0)),
            pl.BlockSpec((1, 1), lambda i: (0, 0)),
            pl.BlockSpec((1, 1), lambda i: (0, 0)),
            pl.BlockSpec((1, 15), lambda i: (0, 0)),
            pl.BlockSpec((1, 15), lambda i: (0, 0)),
            pl.BlockSpec((16, HIDDEN), lambda i: (0, 0)),
            pl.BlockSpec((1, HIDDEN), lambda i: (0, 0)),
        ],
        out_specs=pl.BlockSpec((1, HIDDEN), lambda i: (0, 0)),
        out_shape=jax.ShapeDtypeStruct((1, HIDDEN), jnp.float32),
    )(parts, v, times, thr, w0, b0, W, B, Wv, bv)


def kernel(nid, k, q, v, t, neighbors, times,
           t2v_w0, t2v_b0, t2v_W, t2v_B, Wq, bq, Wk, bk, Wv, bv):
    del nid, k, q, Wq, bq, Wk, bk
    sel_masked = jnp.where(times.reshape(DEG) <= t[0],
                           neighbors.reshape(DEG).astype(jnp.int32), 0)
    parts = _sc_gather_sum(v, sel_masked)
    return _tc_time_term(
        parts, v, times.reshape(DEG, 1), t.reshape(1, 1), t2v_w0.reshape(1, 1),
        t2v_b0.reshape(1, 1), t2v_W.reshape(1, 15), t2v_B.reshape(1, 15),
        Wv, bv.reshape(1, HIDDEN))

# --- scband reference (transcript-rebuilt; emitter-appended) ---
"""Pipeline reference for scband-neighborhood-aggr-26946624815730 (READ-ONLY COPY).

The authoritative reference and input builder live on the scoring server;
editing this copy changes nothing except your own understanding.
"""

import math
import jax, jax.numpy as jnp
import numpy as np

N_NODES = 100000
DEG = 64
HIDDEN = 128
HEADS = 8
TIME_DIM = 16


def time2vec(tau, w0, b0, W, B):
    # tau: [n, 1] -> [n, TIME_DIM]; first channel linear, rest periodic (sin)
    lin = tau * w0 + b0                      # [n, 1]
    per = jnp.sin(tau @ W + B)               # [n, TIME_DIM - 1]
    return jnp.concatenate([lin, per], axis=1)


def setup_inputs(seed: int = 0) -> dict:
    key = jax.random.key(seed)
    ks = jax.random.split(key, 16)
    k = jax.random.normal(ks[0], (N_NODES, HIDDEN), dtype=jnp.float32)
    q = jax.random.normal(ks[1], (N_NODES, HIDDEN), dtype=jnp.float32)
    v = jax.random.normal(ks[2], (N_NODES, HIDDEN), dtype=jnp.float32)
    t = jnp.ones((1,), dtype=jnp.float32)  # current time; all sampled times in [0,1) => full temporal mask
    neighbors = jax.random.randint(ks[3], (DEG, 1), 0, N_NODES)
    times = jax.random.uniform(ks[4], (DEG, 1), dtype=jnp.float32)
    nid = 1234
    # time2vec kernel params
    t2v_w0 = jax.random.normal(ks[5], (1,), dtype=jnp.float32)
    t2v_b0 = jax.random.normal(ks[6], (1,), dtype=jnp.float32)
    t2v_W = jax.random.normal(ks[7], (1, TIME_DIM - 1), dtype=jnp.float32)
    t2v_B = jax.random.normal(ks[8], (TIME_DIM - 1,), dtype=jnp.float32)
    # QKV time projection params (nn.Linear: y = x @ W + b)
    sc = 1.0 / math.sqrt(TIME_DIM)
    Wq = jax.random.normal(ks[9], (TIME_DIM, HIDDEN), dtype=jnp.float32) * sc
    bq = jax.random.normal(ks[10], (HIDDEN,), dtype=jnp.float32) * sc
    Wk = jax.random.normal(ks[11], (TIME_DIM, HIDDEN), dtype=jnp.float32) * sc
    bk = jax.random.normal(ks[12], (HIDDEN,), dtype=jnp.float32) * sc
    Wv = jax.random.normal(ks[13], (TIME_DIM, HIDDEN), dtype=jnp.float32) * sc
    bv = jax.random.normal(ks[14], (HIDDEN,), dtype=jnp.float32) * sc
    return {"nid": nid, "k": k, "q": q, "v": v, "t": t, "neighbors": neighbors, "times": times,
            "t2v_w0": t2v_w0, "t2v_b0": t2v_b0, "t2v_W": t2v_W, "t2v_B": t2v_B,
            "Wq": Wq, "bq": bq, "Wk": Wk, "bk": bk, "Wv": Wv, "bv": bv}


def reference(nid, k, q, v, t, neighbors, times,
              t2v_w0, t2v_b0, t2v_W, t2v_B, Wq, bq, Wk, bk, Wv, bv):
    head_dim = HIDDEN // HEADS
    norm = math.sqrt(1.0 / head_dim)
    q_n = q[nid][None, :]                              # [1, hidden]
    t_mask = times[:, 0] <= t[0]                        # [deg]
    maskf = t_mask.astype(jnp.float32)[:, None]         # [deg, 1]
    sel = neighbors[:, 0]
    k_n = jnp.take(k, sel, axis=0)                      # gather neighbor keys
    v_n = jnp.take(v, sel, axis=0)                      # gather neighbor values
    tau = jnp.concatenate([t.reshape(1, 1), times], axis=0)  # [deg+1, 1]
    z = time2vec(tau, t2v_w0, t2v_b0, t2v_W, t2v_B)     # [deg+1, TIME_DIM]
    t_q = z @ Wq + bq
    t_k = z @ Wk + bk
    t_v = z @ Wv + bv
    q_n = q_n + t_q[0]
    k_n = k_n + t_k[1:]
    v_n = (v_n + t_v[1:]) * maskf
    n_sel = neighbors.shape[0]
    qh = jnp.transpose(q_n.reshape(1, HEADS, head_dim), (1, 0, 2))        # [H, 1, d]
    kh = jnp.transpose(k_n.reshape(n_sel, HEADS, head_dim), (1, 2, 0))    # [H, d, n]
    vh = jnp.transpose(v_n.reshape(n_sel, HEADS, head_dim), (1, 0, 2))    # [H, n, d]
    attn = jax.nn.softmax((qh @ kh) * norm, axis=1)      # softmax over dim=1, faithful to original
    out = (attn @ vh).reshape(1, HIDDEN)
    return out

if __name__ == "__main__":
    import jax
    _d = setup_inputs()
    print(jax.jit(kernel)(*tuple(_d.values())))

</pallas_src>

<mosaic_0001>
#map = affine_map<(d0, d1) -> (0, 0)>
#map1 = affine_map<(d0, d1) -> (0)>
module attributes {stable_mosaic.version = 14 : i64} {
  func.func @_sc_body(%arg0: i32, %arg1: i32, %arg2: memref<100000x128xf32, #tpu.memory_space<hbm>>, %arg3: memref<64xi32, #tpu.memory_space<hbm>>, %arg4: memref<4x128xf32, #tpu.memory_space<hbm>>, %arg5: memref<16xi32, #tpu.memory_space<vmem>>, %arg6: memref<16x128xf32, #tpu.memory_space<vmem>>, %arg7: memref<128xf32, #tpu.memory_space<vmem>>, %arg8: memref<!tpu.dma_semaphore, #tpu.memory_space<semaphore_mem>>) attributes {dimension_semantics = [#tpu.dimension_semantics<core_parallel>, #tpu.dimension_semantics<subcore_parallel>], iteration_bounds = array<i64: 1, 4>, scalar_prefetch = 0 : i64, scratch_operands = 4 : i64, tpu.core_type = #tpu.core_type<sc_vector_subcore>, window_params = [{transform_indices = #map}, {transform_indices = #map1}, {transform_indices = #map}]} {
    %lt3A = arith.constant 4 : i32
    %lt3A_0 = arith.cmpi slt, %arg1, %lt3A : i32
    %convert_element_type3A = arith.extui %lt3A_0 : i1 to i32
    %cond3A = arith.constant 0 : i32
    %cond3A_1 = arith.cmpi ne, %convert_element_type3A, %cond3A : i32
    scf.if %cond3A_1 {
      %mul3A = arith.constant 16 : i32
      %mul3A_2 = arith.muli %arg1, %mul3A : i32
      "tpu.region"() ({
        %run_scoped3A = tpu.sem_alloc : memref<!tpu.dma_semaphore, #tpu.memory_space<semaphore_mem>>
        %dma_start3A_58 = tpu.memref_slice %arg3[%mul3A_2] : memref<64xi32, #tpu.memory_space<hbm>> -> memref<16xi32, #tpu.memory_space<hbm>>
        %dma_start3A_59 = tpu.memref_slice %arg3[%mul3A_2] : memref<64xi32, #tpu.memory_space<hbm>> -> memref<16xi32, #tpu.memory_space<hbm>>
        tpu.enqueue_dma source(%dma_start3A_59 : memref<16xi32, #tpu.memory_space<hbm>>) target(%arg5 : memref<16xi32, #tpu.memory_space<vmem>>) target_semaphore(%run_scoped3A : memref<!tpu.dma_semaphore, #tpu.memory_space<semaphore_mem>>)
        %dma_wait3A_60 = tpu.memref_slice %arg3[%mul3A_2] : memref<64xi32, #tpu.memory_space<hbm>> -> memref<16xi32, #tpu.memory_space<hbm>>
        %dma_wait3A_61 = tpu.memref_slice %arg3[%mul3A_2] : memref<64xi32, #tpu.memory_space<hbm>> -> memref<16xi32, #tpu.memory_space<hbm>>
        tpu.wait_dma2 semaphore(%run_scoped3A : memref<!tpu.dma_semaphore, #tpu.memory_space<semaphore_mem>>) src(%dma_wait3A_61 : memref<16xi32, #tpu.memory_space<hbm>>) dst(%arg5 : memref<16xi32, #tpu.memory_space<vmem>>)
        tpu.yield
      }) : () -> ()
      %dma_start3A = arith.constant 0 : i32
      %dma_start3A_3 = arith.constant 0 : i32
      %dma_start3A_4 = tpu.memref_slice %arg2[%dma_start3A, %dma_start3A_3] : memref<100000x128xf32, #tpu.memory_space<hbm>> -> memref<100000x128xf32, #tpu.memory_space<hbm>>
      tpu.enqueue_indirect_dma source(%dma_start3A_4 : memref<100000x128xf32, #tpu.memory_space<hbm>>) target(%arg6 : memref<16x128xf32, #tpu.memory_space<vmem>>) offsets(%arg5 : memref<16xi32, #tpu.memory_space<vmem>>) semaphore(%arg8 : memref<!tpu.dma_semaphore, #tpu.memory_space<semaphore_mem>>)
      %dma_wait3A = arith.constant 0 : i32
      %dma_wait3A_5 = arith.constant 0 : i32
      %dma_wait3A_6 = tpu.memref_slice %arg2[%dma_wait3A, %dma_wait3A_5] : memref<100000x128xf32, #tpu.memory_space<hbm>> -> memref<100000x128xf32, #tpu.memory_space<hbm>>
      tpu.wait_indirect_dma semaphore(%arg8 : memref<!tpu.dma_semaphore, #tpu.memory_space<semaphore_mem>>) src(%dma_wait3A_6 : memref<100000x128xf32, #tpu.memory_space<hbm>>) dst(%arg6 : memref<16x128xf32, #tpu.memory_space<vmem>>)
      %broadcast_in_dim3A = arith.constant 0.000000e+00 : f32
      %broadcast_in_dim3A_7 = vector.broadcast %broadcast_in_dim3A : f32 to vector<16xf32>
      %broadcast_in_dim3A_8 = arith.constant 0.000000e+00 : f32
      %broadcast_in_dim3A_9 = vector.broadcast %broadcast_in_dim3A_8 : f32 to vector<16xf32>
      %broadcast_in_dim3A_10 = arith.constant 0.000000e+00 : f32
      %broadcast_in_dim3A_11 = vector.broadcast %broadcast_in_dim3A_10 : f32 to vector<16xf32>
      %broadcast_in_dim3A_12 = arith.constant 0.000000e+00 : f32
      %broadcast_in_dim3A_13 = vector.broadcast %broadcast_in_dim3A_12 : f32 to vector<16xf32>
      %broadcast_in_dim3A_14 = arith.constant 0.000000e+00 : f32
      %broadcast_in_dim3A_15 = vector.broadcast %broadcast_in_dim3A_14 : f32 to vector<16xf32>
      %broadcast_in_dim3A_16 = arith.constant 0.000000e+00 : f32
      %broadcast_in_dim3A_17 = vector.broadcast %broadcast_in_dim3A_16 : f32 to vector<16xf32>
      %broadcast_in_dim3A_18 = arith.constant 0.000000e+00 : f32
      %broadcast_in_dim3A_19 = vector.broadcast %broadcast_in_dim3A_18 : f32 to vector<16xf32>
      %broadcast_in_dim3A_20 = arith.constant 0.000000e+00 : f32
      %broadcast_in_dim3A_21 = vector.broadcast %broadcast_in_dim3A_20 : f32 to vector<16xf32>
      %scan3A = arith.constant 0 : i32
      %scan3A_22 = arith.constant 16 : i32
      %scan3A_23 = arith.addi %scan3A, %scan3A_22 : i32
      %scan3A_24 = arith.constant 1 : i32
      %scan3A_25:8 = scf.for %scan3A_58 = %scan3A to %scan3A_23 step %scan3A_24 iter_args(%scan3A_59 = %broadcast_in_dim3A_7, %scan3A_60 = %broadcast_in_dim3A_9, %scan3A_61 = %broadcast_in_dim3A_11, %scan3A_62 = %broadcast_in_dim3A_13, %scan3A_63 = %broadcast_in_dim3A_15, %scan3A_64 = %broadcast_in_dim3A_17, %scan3A_65 = %broadcast_in_dim3A_19, %scan3A_66 = %broadcast_in_dim3A_21) -> (vector<16xf32>, vector<16xf32>, vector<16xf32>, vector<16xf32>, vector<16xf32>, vector<16xf32>, vector<16xf32>, vector<16xf32>)  : i32 {
        %get3A = arith.index_cast %scan3A_58 : i32 to index
        %get3A_67 = arith.constant 0 : index
        %get3A_68 = tpu.vector_load %arg6[%get3A, %get3A_67] {strides = array<i32>} : memref<16x128xf32, #tpu.memory_space<vmem>>, vector<1x16xf32>,
        %get3A_69 = vector.shape_cast %get3A_68 : vector<1x16xf32> to vector<16xf32>
        %add3A = arith.addf %scan3A_59, %get3A_69 : vector<16xf32>
        %get3A_70 = arith.index_cast %scan3A_58 : i32 to index
        %get3A_71 = arith.constant 16 : index
        %get3A_72 = tpu.vector_load %arg6[%get3A_70, %get3A_71] {strides = array<i32>} : memref<16x128xf32, #tpu.memory_space<vmem>>, vector<1x16xf32>,
        %get3A_73 = vector.shape_cast %get3A_72 : vector<1x16xf32> to vector<16xf32>
        %add3A_74 = arith.addf %scan3A_60, %get3A_73 : vector<16xf32>
        %get3A_75 = arith.index_cast %scan3A_58 : i32 to index
        %get3A_76 = arith.constant 32 : index
        %get3A_77 = tpu.vector_load %arg6[%get3A_75, %get3A_76] {strides = array<i32>} : memref<16x128xf32, #tpu.memory_space<vmem>>, vector<1x16xf32>,
        %get3A_78 = vector.shape_cast %get3A_77 : vector<1x16xf32> to vector<16xf32>
        %add3A_79 = arith.addf %scan3A_61, %get3A_78 : vector<16xf32>
        %get3A_80 = arith.index_cast %scan3A_58 : i32 to index
        %get3A_81 = arith.constant 48 : index
        %get3A_82 = tpu.vector_load %arg6[%get3A_80, %get3A_81] {strides = array<i32>} : memref<16x128xf32, #tpu.memory_space<vmem>>, vector<1x16xf32>,
        %get3A_83 = vector.shape_cast %get3A_82 : vector<1x16xf32> to vector<16xf32>
        %add3A_84 = arith.addf %scan3A_62, %get3A_83 : vector<16xf32>
        %get3A_85 = arith.index_cast %scan3A_58 : i32 to index
        %get3A_86 = arith.constant 64 : index
        %get3A_87 = tpu.vector_load %arg6[%get3A_85, %get3A_86] {strides = array<i32>} : memref<16x128xf32, #tpu.memory_space<vmem>>, vector<1x16xf32>,
        %get3A_88 = vector.shape_cast %get3A_87 : vector<1x16xf32> to vector<16xf32>
        %add3A_89 = arith.addf %scan3A_63, %get3A_88 : vector<16xf32>
        %get3A_90 = arith.index_cast %scan3A_58 : i32 to index
        %get3A_91 = arith.constant 80 : index
        %get3A_92 = tpu.vector_load %arg6[%get3A_90, %get3A_91] {strides = array<i32>} : memref<16x128xf32, #tpu.memory_space<vmem>>, vector<1x16xf32>,
        %get3A_93 = vector.shape_cast %get3A_92 : vector<1x16xf32> to vector<16xf32>
        %add3A_94 = arith.addf %scan3A_64, %get3A_93 : vector<16xf32>
        %get3A_95 = arith.index_cast %scan3A_58 : i32 to index
        %get3A_96 = arith.constant 96 : index
        %get3A_97 = tpu.vector_load %arg6[%get3A_95, %get3A_96] {strides = array<i32>} : memref<16x128xf32, #tpu.memory_space<vmem>>, vector<1x16xf32>,
        %get3A_98 = vector.shape_cast %get3A_97 : vector<1x16xf32> to vector<16xf32>
        %add3A_99 = arith.addf %scan3A_65, %get3A_98 : vector<16xf32>
        %get3A_100 = arith.index_cast %scan3A_58 : i32 to index
        %get3A_101 = arith.constant 112 : index
        %get3A_102 = tpu.vector_load %arg6[%get3A_100, %get3A_101] {strides = array<i32>} : memref<16x128xf32, #tpu.memory_space<vmem>>, vector<1x16xf32>,
        %get3A_103 = vector.shape_cast %get3A_102 : vector<1x16xf32> to vector<16xf32>
        %add3A_104 = arith.addf %scan3A_66, %get3A_103 : vector<16xf32>
        scf.yield %add3A, %add3A_74, %add3A_79, %add3A_84, %add3A_89, %add3A_94, %add3A_99, %add3A_104 : vector<16xf32>, vector<16xf32>, vector<16xf32>, vector<16xf32>, vector<16xf32>, vector<16xf32>, vector<16xf32>, vector<16xf32>
      }
      %scan3A_26 = arith.constant 16 : i32
      %swap3A = arith.constant 0 : index
      %swap3A_27 = tpu.vector_load %arg7[%swap3A] {strides = array<i32>} : memref<128xf32, #tpu.memory_space<vmem>>, vector<16xf32>,
      %swap3A_28 = vector.shape_cast %swap3A_27 : vector<16xf32> to vector<16xf32>
      %swap3A_29 = vector.shape_cast %scan3A_25#0 : vector<16xf32> to vector<16xf32>
      tpu.vector_store %arg7[%swap3A], %swap3A_29 {strides = array<i32>} : memref<128xf32, #tpu.memory_space<vmem>>, vector<16xf32>,
      %swap3A_30 = arith.constant 16 : index
      %swap3A_31 = tpu.vector_load %arg7[%swap3A_30] {strides = array<i32>} : memref<128xf32, #tpu.memory_space<vmem>>, vector<16xf32>,
      %swap3A_32 = vector.shape_cast %swap3A_31 : vector<16xf32> to vector<16xf32>
      %swap3A_33 = vector.shape_cast %scan3A_25#1 : vector<16xf32> to vector<16xf32>
      tpu.vector_store %arg7[%swap3A_30], %swap3A_33 {strides = array<i32>} : memref<128xf32, #tpu.memory_space<vmem>>, vector<16xf32>,
      %swap3A_34 = arith.constant 32 : index
      %swap3A_35 = tpu.vector_load %arg7[%swap3A_34] {strides = array<i32>} : memref<128xf32, #tpu.memory_space<vmem>>, vector<16xf32>,
      %swap3A_36 = vector.shape_cast %swap3A_35 : vector<16xf32> to vector<16xf32>
      %swap3A_37 = vector.shape_cast %scan3A_25#2 : vector<16xf32> to vector<16xf32>
      tpu.vector_store %arg7[%swap3A_34], %swap3A_37 {strides = array<i32>} : memref<128xf32, #tpu.memory_space<vmem>>, vector<16xf32>,
      %swap3A_38 = arith.constant 48 : index
      %swap3A_39 = tpu.vector_load %arg7[%swap3A_38] {strides = array<i32>} : memref<128xf32, #tpu.memory_space<vmem>>, vector<16xf32>,
      %swap3A_40 = vector.shape_cast %swap3A_39 : vector<16xf32> to vector<16xf32>
      %swap3A_41 = vector.shape_cast %scan3A_25#3 : vector<16xf32> to vector<16xf32>
      tpu.vector_store %arg7[%swap3A_38], %swap3A_41 {strides = array<i32>} : memref<128xf32, #tpu.memory_space<vmem>>, vector<16xf32>,
      %swap3A_42 = arith.constant 64 : index
      %swap3A_43 = tpu.vector_load %arg7[%swap3A_42] {strides = array<i32>} : memref<128xf32, #tpu.memory_space<vmem>>, vector<16xf32>,
      %swap3A_44 = vector.shape_cast %swap3A_43 : vector<16xf32> to vector<16xf32>
      %swap3A_45 = vector.shape_cast %scan3A_25#4 : vector<16xf32> to vector<16xf32>
      tpu.vector_store %arg7[%swap3A_42], %swap3A_45 {strides = array<i32>} : memref<128xf32, #tpu.memory_space<vmem>>, vector<16xf32>,
      %swap3A_46 = arith.constant 80 : index
      %swap3A_47 = tpu.vector_load %arg7[%swap3A_46] {strides = array<i32>} : memref<128xf32, #tpu.memory_space<vmem>>, vector<16xf32>,
      %swap3A_48 = vector.shape_cast %swap3A_47 : vector<16xf32> to vector<16xf32>
      %swap3A_49 = vector.shape_cast %scan3A_25#5 : vector<16xf32> to vector<16xf32>
      tpu.vector_store %arg7[%swap3A_46], %swap3A_49 {strides = array<i32>} : memref<128xf32, #tpu.memory_space<vmem>>, vector<16xf32>,
      %swap3A_50 = arith.constant 96 : index
      %swap3A_51 = tpu.vector_load %arg7[%swap3A_50] {strides = array<i32>} : memref<128xf32, #tpu.memory_space<vmem>>, vector<16xf32>,
      %swap3A_52 = vector.shape_cast %swap3A_51 : vector<16xf32> to vector<16xf32>
      %swap3A_53 = vector.shape_cast %scan3A_25#6 : vector<16xf32> to vector<16xf32>
      tpu.vector_store %arg7[%swap3A_50], %swap3A_53 {strides = array<i32>} : memref<128xf32, #tpu.memory_space<vmem>>, vector<16xf32>,
      %swap3A_54 = arith.constant 112 : index
      %swap3A_55 = tpu.vector_load %arg7[%swap3A_54] {strides = array<i32>} : memref<128xf32, #tpu.memory_space<vmem>>, vector<16xf32>,
      %swap3A_56 = vector.shape_cast %swap3A_55 : vector<16xf32> to vector<16xf32>
      %swap3A_57 = vector.shape_cast %scan3A_25#7 : vector<16xf32> to vector<16xf32>
      tpu.vector_store %arg7[%swap3A_54], %swap3A_57 {strides = array<i32>} : memref<128xf32, #tpu.memory_space<vmem>>, vector<16xf32>,
      "tpu.region"() ({
        %run_scoped3A = tpu.sem_alloc : memref<!tpu.dma_semaphore, #tpu.memory_space<semaphore_mem>>
        %dma_start3A_58 = arith.constant 0 : i32
        %dma_start3A_59 = tpu.memref_slice %arg4[%arg1, %dma_start3A_58] : memref<4x128xf32, #tpu.memory_space<hbm>> -> memref<1x128xf32, #tpu.memory_space<hbm>>
        %dma_start3A_60 = tpu.memref_squeeze %dma_start3A_59 : memref<1x128xf32, #tpu.memory_space<hbm>> -> memref<128xf32, #tpu.memory_space<hbm>>
        %dma_start3A_61 = arith.constant 0 : i32
        %dma_start3A_62 = tpu.memref_slice %arg4[%arg1, %dma_start3A_61] : memref<4x128xf32, #tpu.memory_space<hbm>> -> memref<1x128xf32, #tpu.memory_space<hbm>>
        %dma_start3A_63 = tpu.memref_squeeze %dma_start3A_62 : memref<1x128xf32, #tpu.memory_space<hbm>> -> memref<128xf32, #tpu.memory_space<hbm>>
        tpu.enqueue_dma source(%arg7 : memref<128xf32, #tpu.memory_space<vmem>>) target(%dma_start3A_63 : memref<128xf32, #tpu.memory_space<hbm>>) target_semaphore(%run_scoped3A : memref<!tpu.dma_semaphore, #tpu.memory_space<semaphore_mem>>)
        %dma_wait3A_64 = arith.constant 0 : i32
        %dma_wait3A_65 = tpu.memref_slice %arg4[%arg1, %dma_wait3A_64] : memref<4x128xf32, #tpu.memory_space<hbm>> -> memref<1x128xf32, #tpu.memory_space<hbm>>
        %dma_wait3A_66 = tpu.memref_squeeze %dma_wait3A_65 : memref<1x128xf32, #tpu.memory_space<hbm>> -> memref<128xf32, #tpu.memory_space<hbm>>
        %dma_wait3A_67 = arith.constant 0 : i32
        %dma_wait3A_68 = tpu.memref_slice %arg4[%arg1, %dma_wait3A_67] : memref<4x128xf32, #tpu.memory_space<hbm>> -> memref<1x128xf32, #tpu.memory_space<hbm>>
        %dma_wait3A_69 = tpu.memref_squeeze %dma_wait3A_68 : memref<1x128xf32, #tpu.memory_space<hbm>> -> memref<128xf32, #tpu.memory_space<hbm>>
        tpu.wait_dma2 semaphore(%run_scoped3A : memref<!tpu.dma_semaphore, #tpu.memory_space<semaphore_mem>>) src(%arg7 : memref<128xf32, #tpu.memory_space<vmem>>) dst(%dma_wait3A_69 : memref<128xf32, #tpu.memory_space<hbm>>)
        tpu.yield
      }) : () -> ()
    } else {
    }
    return
  }
}

module attributes {stable_mosaic.version = 14 : i64} {
  func.func @_tc_body(%arg0: i32, %arg1: memref<4x128xf32, #tpu.memory_space<vmem>>, %arg2: memref<8x128xf32, #tpu.memory_space<vmem>>, %arg3: memref<64x1xf32, #tpu.memory_space<vmem>>, %arg4: memref<1x1xf32, #tpu.memory_space<vmem>>, %arg5: memref<1x1xf32, #tpu.memory_space<vmem>>, %arg6: memref<1x1xf32, #tpu.memory_space<vmem>>, %arg7: memref<1x15xf32, #tpu.memory_space<vmem>>, %arg8: memref<1x15xf32, #tpu.memory_space<vmem>>, %arg9: memref<16x128xf32, #tpu.memory_space<vmem>>, %arg10: memref<1x128xf32, #tpu.memory_space<vmem>>, %arg11: memref<1x128xf32, #tpu.memory_space<vmem>>) attributes {dimension_semantics = [#tpu.dimension_semantics<arbitrary>], iteration_bounds = array<i64: 1>, scalar_prefetch = 0 : i64, scratch_operands = 0 : i64, tpu.core_type = #tpu.core_type<tc>, window_params = [{pipeline_mode = #tpu.pipeline_mode<synchronous>, transform_indices = @transform_0, window_bounds = array<i64: 4, 128>}, {transform_indices = @transform_1, window_bounds = array<i64: 8, 128>}, {pipeline_mode = #tpu.pipeline_mode<synchronous>, transform_indices = @transform_2, window_bounds = array<i64: 64, 1>}, {pipeline_mode = #tpu.pipeline_mode<synchronous>, transform_indices = @transform_3, window_bounds = array<i64: 1, 1>}, {pipeline_mode = #tpu.pipeline_mode<synchronous>, transform_indices = @transform_4, window_bounds = array<i64: 1, 1>}, {pipeline_mode = #tpu.pipeline_mode<synchronous>, transform_indices = @transform_5, window_bounds = array<i64: 1, 1>}, {pipeline_mode = #tpu.pipeline_mode<synchronous>, transform_indices = @transform_6, window_bounds = array<i64: 1, 15>}, {pipeline_mode = #tpu.pipeline_mode<synchronous>, transform_indices = @transform_7, window_bounds = array<i64: 1, 15>}, {pipeline_mode = #tpu.pipeline_mode<synchronous>, transform_indices = @transform_8, window_bounds = array<i64: 16, 128>}, {pipeline_mode = #tpu.pipeline_mode<synchronous>, transform_indices = @transform_9, window_bounds = array<i64: 1, 128>}, {pipeline_mode = #tpu.pipeline_mode<synchronous>, transform_indices = @transform_10, window_bounds = array<i64: 1, 128>}]} {
    %get3A = arith.constant 0 : index
    %get3A_0 = arith.constant 0 : index
    %get3A_1 = vector.load %arg1[%get3A, %get3A_0] : memref<4x128xf32, #tpu.memory_space<vmem>>, vector<4x128xf32>
    %reduce_sum3A = arith.constant dense<0.000000e+00> : vector<128xf32>
    %reduce_sum3A_2 = vector.multi_reduction <add>, %get3A_1, %reduce_sum3A [0] : vector<4x128xf32> to vector<128xf32>
    %broadcast_in_dim3A = vector.shape_cast %reduce_sum3A_2 : vector<128xf32> to vector<1x128xf32>
    %get3A_3 = arith.constant 0 : index
    %get3A_4 = arith.constant 0 : index
    %get3A_5 = vector.load %arg2[%get3A_3, %get3A_4] : memref<8x128xf32, #tpu.memory_space<vmem>>, vector<1x128xf32>
    %get3A_6 = arith.constant 0 : index
    %get3A_7 = arith.constant 0 : index
    %get3A_8 = vector.load %arg3[%get3A_6, %get3A_7] : memref<64x1xf32, #tpu.memory_space<vmem>>, vector<64x1xf32>
    %get3A_9 = arith.constant 0 : index
    %get3A_10 = arith.constant 0 : index
    %get3A_11 = vector.load %arg4[%get3A_9, %get3A_10] : memref<1x1xf32, #tpu.memory_space<vmem>>, vector<1x1xf32>
    %le3A = vector.broadcast %get3A_11 : vector<1x1xf32> to vector<64x1xf32>
    %le3A_12 = arith.cmpf ole, %get3A_8, %le3A : vector<64x1xf32>
    %convert_element_type3A = arith.extui %le3A_12 : vector<64x1xi1> to vector<64x1xi32>
    %convert_element_type3A_13 = arith.sitofp %convert_element_type3A : vector<64x1xi32> to vector<64x1xf32>
    %get3A_14 = arith.constant 0 : index
    %get3A_15 = arith.constant 0 : index
    %get3A_16 = vector.load %arg5[%get3A_14, %get3A_15] : memref<1x1xf32, #tpu.memory_space<vmem>>, vector<1x1xf32>
    %mul3A = vector.broadcast %get3A_16 : vector<1x1xf32> to vector<64x1xf32>
    %mul3A_17 = arith.mulf %get3A_8, %mul3A : vector<64x1xf32>
    %get3A_18 = arith.constant 0 : index
    %get3A_19 = arith.constant 0 : index
    %get3A_20 = vector.load %arg6[%get3A_18, %get3A_19] : memref<1x1xf32, #tpu.memory_space<vmem>>, vector<1x1xf32>
    %add3A = vector.broadcast %get3A_20 : vector<1x1xf32> to vector<64x1xf32>
    %add3A_21 = arith.addf %mul3A_17, %add3A : vector<64x1xf32>
    %get3A_22 = arith.constant 0 : index
    %get3A_23 = arith.constant 0 : index
    %get3A_24 = vector.load %arg7[%get3A_22, %get3A_23] : memref<1x15xf32, #tpu.memory_space<vmem>>, vector<1x15xf32>
    %mul3A_25 = vector.broadcast %get3A_8 : vector<64x1xf32> to vector<64x15xf32>
    %mul3A_26 = vector.broadcast %get3A_24 : vector<1x15xf32> to vector<64x15xf32>
    %mul3A_27 = arith.mulf %mul3A_25, %mul3A_26 : vector<64x15xf32>
    %get3A_28 = arith.constant 0 : index
    %get3A_29 = arith.constant 0 : index
    %get3A_30 = vector.load %arg8[%get3A_28, %get3A_29] : memref<1x15xf32, #tpu.memory_space<vmem>>, vector<1x15xf32>
    %add3A_31 = vector.broadcast %get3A_30 : vector<1x15xf32> to vector<64x15xf32>
    %add3A_32 = arith.addf %mul3A_27, %add3A_31 : vector<64x15xf32>
    %sin3A = math.sin %add3A_32 : vector<64x15xf32>
    %concatenate3A = tpu.concatenate %add3A_21, %sin3A in 1 : vector<64x1xf32>, vector<64x15xf32> -> vector<64x16xf32>
    %mul3A_33 = vector.broadcast %convert_element_type3A_13 : vector<64x1xf32> to vector<64x16xf32>
    %mul3A_34 = arith.mulf %concatenate3A, %mul3A_33 : vector<64x16xf32>
    %get3A_35 = arith.constant 0 : index
    %get3A_36 = arith.constant 0 : index
    %get3A_37 = vector.load %arg9[%get3A_35, %get3A_36] : memref<16x128xf32, #tpu.memory_space<vmem>>, vector<16x128xf32>
    %dot_general3A = arith.constant dense<0.000000e+00> : vector<64x128xf32>
    %dot_general3A_38 = tpu.matmul %mul3A_34, %get3A_37, %dot_general3A {dimension_numbers = #tpu.dot_dimension_numbers<[1], [0], [0], [1], [0, 0, 1, 1], [], []>, transpose_lhs_hint = false} : vector<64x16xf32>, vector<16x128xf32>, vector<64x128xf32> -> vector<64x128xf32>
    %reduce_sum3A_39 = arith.constant dense<0.000000e+00> : vector<128xf32>
    %reduce_sum3A_40 = vector.multi_reduction <add>, %dot_general3A_38, %reduce_sum3A_39 [0] : vector<64x128xf32> to vector<128xf32>
    %broadcast_in_dim3A_41 = vector.shape_cast %reduce_sum3A_40 : vector<128xf32> to vector<1x128xf32>
    %reduce_sum3A_42 = vector.shape_cast %convert_element_type3A_13 : vector<64x1xf32> to vector<1x64x1xf32>
    %reduce_sum3A_43 = arith.constant dense<0.000000e+00> : vector<1xf32>
    %reduce_sum3A_44 = vector.multi_reduction <add>, %reduce_sum3A_42, %reduce_sum3A_43 [1, 2] : vector<1x64x1xf32> to vector<1xf32>
    %reduce_sum3A_45 = vector.shape_cast %reduce_sum3A_44 : vector<1xf32> to vector<1x1x1xf32>
    %reduce_sum3A_46 = vector.extract %reduce_sum3A_45[0, 0, 0] : f32 from vector<1x1x1xf32>
    %sub3A = arith.constant 6.400000e+01 : f32
    %sub3A_47 = arith.subf %sub3A, %reduce_sum3A_46 : f32
    %add3A_48 = arith.addf %broadcast_in_dim3A, %broadcast_in_dim3A_41 : vector<1x128xf32>
    %get3A_49 = arith.constant 0 : index
    %get3A_50 = arith.constant 0 : index
    %get3A_51 = vector.load %arg10[%get3A_49, %get3A_50] : memref<1x128xf32, #tpu.memory_space<vmem>>, vector<1x128xf32>
    %mul3A_52 = vector.broadcast %reduce_sum3A_46 : f32 to vector<1x128xf32>
    %mul3A_53 = arith.mulf %mul3A_52, %get3A_51 : vector<1x128xf32>
    %add3A_54 = arith.addf %add3A_48, %mul3A_53 : vector<1x128xf32>
    %mul3A_55 = vector.broadcast %sub3A_47 : f32 to vector<1x128xf32>
    %mul3A_56 = arith.mulf %mul3A_55, %get3A_5 : vector<1x128xf32>
    %sub3A_57 = arith.subf %add3A_54, %mul3A_56 : vector<1x128xf32>
    %swap3A = arith.constant 0 : index
    %swap3A_58 = arith.constant 0 : index
    %swap3A_59 = vector.load %arg11[%swap3A, %swap3A_58] : memref<1x128xf32, #tpu.memory_space<vmem>>, vector<1x128xf32>
    tpu.vector_store %arg11[%swap3A, %swap3A_58], %sub3A_57 {strides = array<i32>} : memref<1x128xf32, #tpu.memory_space<vmem>>, vector<1x128xf32>,
    return
  }
  func.func @transform_0(%arg0: i32) -> (i32, i32) {
    %c0_i32 = arith.constant 0 : i32
    %c0_i32_0 = arith.constant 0 : i32
    %c0_i32_1 = arith.constant 0 : i32
    return %c0_i32, %c0_i32_0 : i32, i32
  }
  func.func @transform_1(%arg0: i32) -> (i32, i32) {
    %c0_i32 = arith.constant 0 : i32
    %c0_i32_0 = arith.constant 0 : i32
    %c0_i32_1 = arith.constant 0 : i32
    return %c0_i32, %c0_i32_0 : i32, i32
  }
  func.func @transform_2(%arg0: i32) -> (i32, i32) {
    %c0_i32 = arith.constant 0 : i32
    %c0_i32_0 = arith.constant 0 : i32
    %c0_i32_1 = arith.constant 0 : i32
    return %c0_i32, %c0_i32_0 : i32, i32
  }
  func.func @transform_3(%arg0: i32) -> (i32, i32) {
    %c0_i32 = arith.constant 0 : i32
    %c0_i32_0 = arith.constant 0 : i32
    %c0_i32_1 = arith.constant 0 : i32
    return %c0_i32, %c0_i32_0 : i32, i32
  }
  func.func @transform_4(%arg0: i32) -> (i32, i32) {
    %c0_i32 = arith.constant 0 : i32
    %c0_i32_0 = arith.constant 0 : i32
    %c0_i32_1 = arith.constant 0 : i32
    return %c0_i32, %c0_i32_0 : i32, i32
  }
  func.func @transform_5(%arg0: i32) -> (i32, i32) {
    %c0_i32 = arith.constant 0 : i32
    %c0_i32_0 = arith.constant 0 : i32
    %c0_i32_1 = arith.constant 0 : i32
    return %c0_i32, %c0_i32_0 : i32, i32
  }
  func.func @transform_6(%arg0: i32) -> (i32, i32) {
    %c0_i32 = arith.constant 0 : i32
    %c0_i32_0 = arith.constant 0 : i32
    %c0_i32_1 = arith.constant 0 : i32
    return %c0_i32, %c0_i32_0 : i32, i32
  }
  func.func @transform_7(%arg0: i32) -> (i32, i32) {
    %c0_i32 = arith.constant 0 : i32
    %c0_i32_0 = arith.constant 0 : i32
    %c0_i32_1 = arith.constant 0 : i32
    return %c0_i32, %c0_i32_0 : i32, i32
  }
  func.func @transform_8(%arg0: i32) -> (i32, i32) {
    %c0_i32 = arith.constant 0 : i32
    %c0_i32_0 = arith.constant 0 : i32
    %c0_i32_1 = arith.constant 0 : i32
    return %c0_i32, %c0_i32_0 : i32, i32
  }
  func.func @transform_9(%arg0: i32) -> (i32, i32) {
    %c0_i32 = arith.constant 0 : i32
    %c0_i32_0 = arith.constant 0 : i32
    %c0_i32_1 = arith.constant 0 : i32
    return %c0_i32, %c0_i32_0 : i32, i32
  }
  func.func @transform_10(%arg0: i32) -> (i32, i32) {
    %c0_i32 = arith.constant 0 : i32
    %c0_i32_0 = arith.constant 0 : i32
    %c0_i32_1 = arith.constant 0 : i32
    return %c0_i32, %c0_i32_0 : i32, i32
  }
}

</mosaic_0001>

<sc_bundles>
// kernel: kernel.4.cloned.1.call-start
scs
__scs_entry_jumppad:
0x0: {  	(pc) =	sbr.rel $0x88, $3  }
0x1: {  	(tag) =	ssettag $0x0;
	lr =	simm.s32 $0x1  }
0x2: {  	[smem:$0x3F97] =	sst lr;
	_ =	strace $0xD0000000  }
0x3: {  	_ = 	snop  }
0x4: {  	_ = 	snop  }
0x5: {  	_ = 	snop  }
0x6: {  	_ = 	snop  }
0x7: {  	_ = 	snop  }
__scs_overlays_trampoline_lowered:
0x8: {  	[smem:$0x3FA6] =	sst s0  }
0x9: {  	[smem:$0x3FA7] =	sst s1  }
0xa: {  	[smem:$0x3FA8] =	sst s2  }
0xb: {  	[smem:$0x3FA9] =	sst s3  }
0xc: {  	[smem:$0x3FAA] =	sst s4  }
0xd: {  	[smem:$0x3FAB] =	sst s5  }
0xe: {  	[smem:$0x3FAC] =	sst s6  }
0xf: {  	[smem:$0x3FAD] =	sst s7  }
0x10: {  	[smem:$0x3FAE] =	sst s8  }
0x11: {  	[smem:$0x3FAF] =	sst s9;
	s0 =	simm.s32 @!p0 $0x0  }
0x12: {  	s1 =	sld [smem:$0x3F95];
	s0 =	simm.s32 @p0 $0x1  }
0x13: {  	[smem:$0x3FB0] =	sst s0;
	s0 =	simm.s32 @!p1 $0x0  }
0x14: {  	s2 =	sld [smem:$0x3F94];
	s0 =	simm.s32 @p1 $0x1  }
0x15: {  	[smem:$0x3FB1] =	sst s0;
	s0 =	simm.s32 @!p2 $0x0  }
0x16: {  	s3 =	sld [smem:$0x3FDB];
	s0 =	simm.s32 @p2 $0x1  }
0x17: {  	s4 =	simm.s32 $0x1BF5;
	[smem:$0x3FB3] =	sst s0  }
0x18: {  	s0 =	sld [smem:$0x3F96];
	_ =	swait.ge [sflag:s4], $0x0  }
0x19: {  	s7 =	sld [smem:$0x3F97]  }
0x1a: {  	s8 =	sadd.s32 $0xFFFFE003, lr  }
0x1b: {  	s9 =	sadd.s32 $0xFFFFFEF7, lr;
	s5 =	simm.s32 $0xFFFFFFFF;
	p2 =	slt.u32 s8, $0xFFFFF086  }
0x1c: {  	p1 =	slt.u32 s9, $0xF7A;
	s5 =	simm.s32 @!p2 $0x0  }
0x1d: {  	s5 =	simm.s32 @p1 $0x1;
	p0 =	seq.s32 s7, s2  }
0x1e: {  	s7 =	smul.u32 @!p0 $0xF7A, s2;
	p2 =	seq.s32 @!p0 s5, $0x0  }
0x1f: {  	s9 =	smul.u32 $0xF7A, s1;
	s8 =	simm.s32 @!p0 $0x1BF5;
	p2 =	por !p2, p0  }
0x20: {  	[sflag:s8] =	ssyncset.s32 @!p0 $0xFFFFF086;
	s6 =	sadd.s32 @!p0 s3, s7;
	s7 =	simm.s32 @!p0 $0x108  }
0x21: {  	s3 =	sadd.s32 s3, s9;
	s6 =	sadd.s32 @!p0 $0x88, s6;
	s7 =	simm.s32 @p2 $0x1082  }
0x22: {  	[simem:s7], [sflag:s8] =	dma.local @!p0 [hbm:s6], $0xF7A  }
0x23: {  	s9 =	sor.u32 $0xD0000000, s2;
	s6 =	simm.s32 $0x108;
	_ =	swait.ge @!p0 [sflag:s8], $0x0  }
0x24: {  	s3 =	sadd.s32 $0x88, s3;
	s6 =	simm.s32 @!p1 $0x1082;
	[sflag:s4] =	ssyncset.s32 $0xFFFFF086  }
0x25: {  	[simem:s6], [sflag:s4] =	dma.local [hbm:s3], $0xF7A  }
0x26: {  	[smem:$0x3F97] =	sst s1;
	(tag) =	ssettag s2;
	_ =	strace s9  }
0x27: {  	s1 =	sld [smem:$0x3FA7]  }
0x28: {  	s2 =	sld [smem:$0x3FA8]  }
0x29: {  	s4 =	sld [smem:$0x3FAA]  }
0x2a: {  	p0 =	seq.s32 s5, $0x0;
	s5 =	sld [smem:$0x3FAB]  }
0x2b: {  	s6 =	sld [smem:$0x3FAC]  }
0x2c: {  	s7 =	sld [smem:$0x3FAD]  }
0x2d: {  	s3 =	simm.s32 $0x108;
	s8 =	sld [smem:$0x3FAE]  }
0x2e: {  	s3 =	simm.s32 @!p0 $0x1082;
	s9 =	sld [smem:$0x3FAF]  }
0x2f: {  	lr =	sadd.s32 s0, s3;
	s0 =	sld [smem:$0x3FA6]  }
0x30: {  	s3 =	sld [smem:$0x3FA9]  }
0x31: {  	[smem:$0x3FB2] =	sst s10  }
0x32: {  	s10 =	sld [smem:$0x3FB0];
	_ =	sdelay $0x3  }
0x33: {  	p0 =	seq.s32 s10, $0x1;
	s10 =	sld [smem:$0x3FB2];
	_ =	sdelay $0x3  }
0x34: {  	[smem:$0x3FB2] =	sst s10  }
0x35: {  	s10 =	sld [smem:$0x3FB1];
	_ =	sdelay $0x3  }
0x36: {  	p1 =	seq.s32 s10, $0x1;
	s10 =	sld [smem:$0x3FB2];
	_ =	sdelay $0x3  }
0x37: {  	[smem:$0x3FB2] =	sst s10  }
0x38: {  	s10 =	sld [smem:$0x3FB3]  }
0x39: {  	_ = 	snop;
	(pc) =	sbr.ind lr, $3  }
0x3a: {  	_ = 	snop  }
0x3b: {  	_ = 	snop  }
0x3c: {  	p2 =	seq.s32 s10, $0x1;
	s10 =	sld [smem:$0x3FB2]  }
0x3d: {  	_ =	shalt  }
0x3e: {  	_ =	shalt  }
0x3f: {  	_ =	shalt  }
0x40: {  	_ =	shalt  }
0x41: {  	_ =	shalt  }
0x42: {  	_ =	shalt  }
0x43: {  	_ =	shalt  }
0x44: {  	_ =	shalt  }
0x45: {  	_ =	shalt  }
0x46: {  	_ =	shalt  }
0x47: {  	_ =	shalt  }
0x48: {  	_ =	shalt  }
0x49: {  	_ =	shalt  }
0x4a: {  	_ =	shalt  }
0x4b: {  	_ =	shalt  }
0x4c: {  	_ =	shalt  }
0x4d: {  	_ =	shalt  }
0x4e: {  	_ =	shalt  }
0x4f: {  	_ =	shalt  }
0x50: {  	_ =	shalt  }
0x51: {  	_ =	shalt  }
0x52: {  	_ =	shalt  }
0x53: {  	_ =	shalt  }
0x54: {  	_ =	shalt  }
0x55: {  	_ =	shalt  }
0x56: {  	_ =	shalt  }
0x57: {  	_ =	shalt  }
0x58: {  	_ =	shalt  }
0x59: {  	_ =	shalt  }
0x5a: {  	_ =	shalt  }
0x5b: {  	_ =	shalt  }
0x5c: {  	_ =	shalt  }
0x5d: {  	_ =	shalt  }
0x5e: {  	_ =	shalt  }
0x5f: {  	_ =	shalt  }
0x60: {  	_ =	shalt  }
0x61: {  	_ =	shalt  }
0x62: {  	_ =	shalt  }
0x63: {  	_ =	shalt  }
0x64: {  	_ =	shalt  }
0x65: {  	_ =	shalt  }
0x66: {  	_ =	shalt  }
0x67: {  	_ =	shalt  }
0x68: {  	_ =	shalt  }
0x69: {  	_ =	shalt  }
0x6a: {  	_ =	shalt  }
0x6b: {  	_ =	shalt  }
0x6c: {  	_ =	shalt  }
0x6d: {  	_ =	shalt  }
0x6e: {  	_ =	shalt  }
0x6f: {  	_ =	shalt  }
0x70: {  	_ =	shalt  }
0x71: {  	_ =	shalt  }
0x72: {  	_ =	shalt  }
0x73: {  	_ =	shalt  }
0x74: {  	_ =	shalt  }
0x75: {  	_ =	shalt  }
0x76: {  	_ =	shalt  }
0x77: {  	_ =	shalt  }
0x78: {  	_ =	shalt  }
0x79: {  	_ =	shalt  }
0x7a: {  	_ =	shalt  }
0x7b: {  	_ =	shalt  }
0x7c: {  	_ =	shalt  }
0x7d: {  	_ =	shalt  }
0x7e: {  	_ =	shalt  }
0x7f: {  	_ =	shalt  }
0x80: {  	_ =	shalt  }
0x81: {  	_ =	shalt  }
0x82: {  	_ =	shalt  }
0x83: {  	_ =	shalt  }
0x84: {  	_ =	shalt  }
0x85: {  	_ =	shalt  }
0x86: {  	_ =	shalt  }
0x87: {  	_ =	shalt  }
.Lfunc_end0:
.L_simem_size_0:
called_computation_lowered:
.L_overlay_start_0:
0x88: {  	s0 =	sld [smem:$0x3FD9]  }
0x89: {  	s1 =	sld [smem:$0x3FFE];
	_ =	sdelay $0x3  }
0x8a: {  	s0 =	sadd.s32 s1, s0  }
0x8b: {  	[smem:$0x3FBE] =	sst s0  }
0x8c: {  	_ = 	snop  }
0x8d: {  	s0 =	sld [smem:$0x3FC9]  }
0x8e: {  	s16 =	sld [smem:$0x3FD0];
	(tm) =	ssettm $0x1  }
0x8f: {  	s2 =	sld [smem:$0x3FFB];
	_ =	sdelay $0x3  }
0x90: {  	_ =	strace s2  }
0x91: {  	s2 =	sld [smem:$0x3FFC];
	_ =	sdelay $0x3  }
0x92: {  	_ =	strace s2  }
0x93: {  	s2 =	sld [smem:$0x3FFD];
	_ =	sdelay $0x3  }
0x94: {  	_ =	strace s2  }
0x95: {  	_ =	strace $0x8FFFFFFF  }
0x96: {  	s17 =	sld [smem:$0x3FDB];
	_ =	sdelay $0x1  }
0x97: {  	s3 =	simm.s32 $_scs_section_size  }
0x98: {  	s4 =	simm.s32 $_size__tile_overlayer_lowered;
	s5 =	simm.s32 $_tile_overlayer_lowered  }
0x99: {  	s20 =	simm.s32 $0x1BFF;
	s19 =	sshll.u32 s5, $0x1;
	s2 =	sadd.s32 s3, s17  }
0x9a: {  	s6 =	simm.s32 $0x0;
	s18 =	sshll.u32 s4, $0x1;
	s4 =	sadd.s32 s19, s2  }
0x9b: {  	[timem:s6], [sflag:s20] =	dma.local [hbm:s4], s18  }
0x9c: {  	_ =	swait.ge [sflag:s20], s18  }
0x9d: {  	s3 =	ssub.s32 $0x0, s18;
	[sflag:s20] =	ssyncset.done $0x0  }
0x9e: {  	[sflag:s20] =	ssyncadd.s32 s3;
	_ =	sdelay $0x1  }
0x9f: {  	s21 =	simm.s32 $0x1B8B  }
0xa0: {  	_ =	swait.ge [sflag:s21], $0x1  }
0xa1: {  	[sflag:s21] =	ssyncset.done $0x0  }
0xa2: {  	s23 =	simm.s32 $0x1B8E;
	s22 =	sld [smem:$0x3FFE];
	[sflag:s21] =	ssyncadd.s32 $0xFFFFFFFF  }
0xa3: {  	s24 =	simm.s32 $execute0_lowered;
	[smem:$0x3FD2] =	sst s23  }
0xa4: {  	s4 =	sshll.u32 s24, $0x1;
	_ =	strace $0x80000046;
	[dreg:$0x1] =	wrdreg $0xFFFFFFFF  }
0xa5: {  	s25 =	simm.s32 $_size_execute0_lowered;
	s2 =	sadd.s32 s2, s4;
	[dreg:$0x0] =	wrdreg $0x0  }
0xa6: {  	s4 =	sshll.u32 s25, $0x1;
	[dreg:$0x2] =	wrdreg s2  }
0xa7: {  	[dreg:$0x3] =	wrdreg s4  }
0xa8: {  	[dreg:$0x4] =	wrdreg $0xC0  }
0xa9: {  	_ =	task [dreg:s6], $0x5FFFF  }
0xaa: {  	[dreg:$0x1] =	wrdreg $0xFFFFFFFF  }
0xab: {  	[dreg:$0x0] =	wrdreg $0x60  }
0xac: {  	[dreg:$0x2] =	wrdreg s0  }
0xad: {  	[dreg:$0x3] =	wrdreg s16  }
0xae: {  	[dreg:$0x4] =	wrdreg s22  }
0xaf: {  	[dreg:$0x5] =	wrdreg $0x9  }
0xb0: {  	_ =	task.clear_ibuf [dreg:s6], $0x6FFFF;
	_ =	strace $0x90000046  }
0xb1: {  	s26 =	simm.s32 $0x9;
	_ =	strace $0x80000048  }
0xb2: {  	_ =	swait.ge [sflag:s26], $0x1  }
0xb3: {  	[sflag:s26] =	ssyncadd.s32 $0xFFFFFFFF  }
0xb4: {  	_ =	strace $0x90000048  }
0xb5: {  	_ =	sfence  }
0xb6: {  	s28 =	sld [smem:$0x0];
	_ =	sdelay $0x1  }
0xb7: {  	s29 =	srdreg.scid  }
0xb8: {  	s30 =	sshll.u32 s29, $0xD;
	s31 =	sshrl.u32 s29, $0x2  }
0xb9: {  	s1 =	sand.u32 $0x1, s29;
	s2 =	sand.u32 $0x4000, s30;
	s0 =	sadd.s32 s31, s28  }
0xba: {  	s1 =	sor.u32 s2, s1;
	s0 =	sshll.u32 s0, $0x11  }
0xbb: {  	s0 =	sor.u32 s0, s1  }
0xbc: {  	s0 =	sadd.s32 $0x8F2B, s0  }
0xbd: {  	[sflag:s0] =	ssyncadd.remote.s32 $0x1  }
0xbe: {  	_ =	sfence.sel $0xFFFF  }
0xbf: {  	[dreg:$0x0] =	wrdreg $0xFFFFFFFF;
	(pc) =	sbr.abs _section_cstart, $3  }
0xc0: {  	[dreg:$0x1] =	wrdreg $0xFFFFFFFF  }
0xc1: {  	_ =	task.clear_ibuf [dreg:s6], $0x2FFFF;
	_ =	strace $0x9FFFFFFF  }
0xc2: {  	(tm) =	ssettm $0x7FFFFFFF  }
0xc3: {  	_ =	shalt  }
tec
execute0_lowered:
.L_overlay_start_1:
0x0: {  	(tag) =	ssettag $0x1  }
0x1: {  	s1 =	stileid.u32  }
0x2: {  	p0 =	sgt.u32 s1, $0x3  }
.Ltmp0:
0x3: {  	s3 =	rddreg [dreg:$0x0];
	(pc) =	sbr.rel @p0 .LBB2_4-.Ltmp0, $4  }
0x4: {  	s5 =	rddreg [dreg:$0x1]  }
0x5: {  	s2 =	rddreg [dreg:$0x2];
	s4 =	simm.s32 $0x0  }
0x6: {  	[smem:$0x7FF] =	sst s4  }
0x7: {  	s0 =	rddreg [dreg:$0x3];
	_ =	strace $0x80000047  }
0x8: {  	s6 =	sshll.u32 s1, $0x1  }
0x9: {  	s25 =	simm.s32 $0x2;
	s5 =	sadd.s32 s5, s6  }
0xa: {  	[tilespmem:s4], [sflag:$0x2] =	stream.linear.gather [hbm4b:s5+s4], $0x10, $0x38;
	[tilespmem:$0x900] =	vst v63  }
0xb: {  	_ =	swait.ge [sflag:s25], $0x10  }
0xc: {  	s26 =	simm.s32 $0x10;
	[sflag:s25] =	ssyncset.done $0x0  }
0xd: {  	s28 =	simm.s32 $0x80;
	s29 =	simm.s32 $0x1;
	[sflag:s25] =	ssyncadd.s32 $0xFFFFFFF0  }
0xe: {  	[tilespmem:s28], [sflag:$0x1] =	stream.indirect.gather [hbm4b:s3+s26], $0x80, s4, s26, $0xb8;
	[tilespmem:$0x900] =	vst v63  }
0xf: {  	_ =	swait.ge [sflag:s29], $0x800  }
0x10: {  	[sflag:s29] =	ssyncset.done $0x0  }
0x11: {  	s30 =	simm.s32 $0x0;
	[sflag:s29] =	ssyncadd.s32 $0xFFFFF800  }
0x12: {  	v0 =	vld [tilespmem:s30+$0xF0]  }
0x13: {  	v3 =	vld [tilespmem:s30+$0x80]  }
0x14: {  	v4 =	vld [tilespmem:s30+$0x90]  }
0x15: {  	v9 =	vld [tilespmem:s30+$0xA0]  }
0x16: {  	v7 =	vld [tilespmem:s30+$0xB0]  }
0x17: {  	v1 =	vimm.f32 $0.0e+00;
	v6 =	vimm.f32 $0.0e+00;
	v2 =	vld [tilespmem:s30+$0xC0]  }
0x18: {  	s2 =	sadd.s32 $0x1200, s2;
	s31 =	sshll.u32 s1, $0x4;
	v11 =	vimm.f32 $0.0e+00;
	v8 =	vimm.f32 $0.0e+00;
	v10 =	vld [tilespmem:s30+$0xD0];
	v0 =	vadd.f32 v0, v1  }
0x19: {  	s2 =	sadd.s32 s2, s31;
	s3 =	simm.s32 $0x80;
	s4 =	simm.s32 $0x400;
	v12 =	vld [tilespmem:s30+$0xE0];
	v5 =	vadd.f32 v3, v1;
	v4 =	vadd.f32 v4, v1;
	v3 =	vimm.f32 $0.0e+00  }
.LBB2_2:
0x1a: {  	p0 =	sne.s32 s4, $0x1E00;
	v13 =	vld [tilespmem:s3+$0xF0];
	v1 =	vadd.f32 v9, v1  }
0x1b: {  	v14 =	vld [tilespmem:s3+$0x80];
	v6 =	vadd.f32 v7, v6  }
0x1c: {  	v15 =	vld [tilespmem:s3+$0x90];
	v11 =	vadd.f32 v2, v11  }
.Ltmp1:
0x1d: {  	v9 =	vld [tilespmem:s3+$0xA0];
	v8 =	vadd.f32 v10, v8;
	(pc) =	sbr.rel @p0 .LBB2_2-.Ltmp1, $4  }
0x1e: {  	v7 =	vld [tilespmem:s3+$0xB0];
	v3 =	vadd.f32 v12, v3  }
0x1f: {  	v2 =	vld [tilespmem:s3+$0xC0];
	v0 =	vadd.f32 v13, v0  }
0x20: {  	v5 =	vadd.f32 v14, v5;
	v10 =	vld [tilespmem:s3+$0xD0]  }
0x21: {  	v4 =	vadd.f32 v15, v4;
	v12 =	vld [tilespmem:s3+$0xE0];
	s3 =	sshra.s32 s4, $0x2;
	s4 =	sadd.s32 $0x200, s4  }
0x22: {  	v14 =	vld [tilespmem:s3+$0x80]  }
0x23: {  	v15 =	vld [tilespmem:s3+$0x90]  }
0x24: {  	v16 =	vld [tilespmem:s3+$0xA0]  }
0x25: {  	v17 =	vld [tilespmem:s3+$0xB0]  }
0x26: {  	v18 =	vld [tilespmem:s3+$0xC0]  }
0x27: {  	v1 =	vadd.f32 v9, v1;
	v60 =	vld [tilespmem:s3+$0xD0];
	v5 =	vadd.f32 v14, v5  }
0x28: {  	v13 =	vld [tilespmem:s3+$0xF0];
	v6 =	vadd.f32 v7, v6;
	v4 =	vadd.f32 v15, v4  }
0x29: {  	v61 =	vld [tilespmem:s3+$0xE0];
	v2 =	vadd.f32 v2, v11;
	v1 =	vadd.f32 v16, v1;
	[tilespmem:$0x880] =	vst v5  }
0x2a: {  	v62 =	vadd.f32 v10, v8;
	v6 =	vadd.f32 v17, v6;
	[tilespmem:$0x890] =	vst v4  }
0x2b: {  	v2 =	vadd.f32 v18, v2;
	[tilespmem:$0x8A0] =	vst v1  }
0x2c: {  	v3 =	vadd.f32 v12, v3;
	v63 =	vadd.f32 v60, v62;
	[tilespmem:$0x8B0] =	vst v6  }
0x2d: {  	v0 =	vadd.f32 v13, v0;
	[tilespmem:$0x8C0] =	vst v2  }
0x2e: {  	v3 =	vadd.f32 v61, v3;
	[tilespmem:$0x8D0] =	vst v63  }
0x2f: {  	[tilespmem:$0x8F0] =	vst v0  }
0x30: {  	s30 =	simm.s32 $0x0;
	s4 =	simm.s32 $0x880;
	s31 =	simm.s32 $0x2;
	[tilespmem:$0x8E0] =	vst v3  }
0x31: {  	[hbm4b:s2+s30] =	stream.linear.scatter [tilespmem:s4], [sflag:$0x2], $0x80, $0x38;
	[tilespmem:$0x900] =	vst v63  }
0x32: {  	_ =	swait.ge [sflag:s31], $0x80  }
0x33: {  	[sflag:s31] =	ssyncset.done $0x0  }
0x34: {  	[sflag:s31] =	ssyncadd.s32 $0xFFFFFF80  }
.LBB2_4:
0x35: {  	_ =	sfence.sel $0x180000  }
0x36: {  	[bflag:$0x0] =	sbarrier.arrive $0xFFFF  }
0x37: {  	p0 =	sne.s32 s1, $0x0;
	_ =	strace $0x90000047  }
0x38: {  	s0 =	sadd.s32 @!p0 $0x100000, s0;
	[bflag:$0x2] =	sbarrier.arrive $0xFFFF  }
0x39: {  	[sflag:s0] =	ssyncadd.tile.s32 @!p0 $0x1;
	_ =	shalt  }
.Lfunc_end2:
_tile_overlayer_lowered:
.L_overlay_start_2:
0x3a: {  	(tag) =	ssettag $0x2  }
0x3b: {  	s0 =	rddreg [dreg:$0x0];
	s2 =	stileid.u32  }
0x3c: {  	s1 =	rddreg [dreg:$0x1];
	p0 =	sne.s32 s2, $0x0  }
0x3d: {  	s3 =	rddreg [dreg:$0x2];
	[bflag:$0x3] =	sbarrier.arrive $0xFFFF;
	s2 =	simm.s32 @!p0 $0x1C02  }
0x3e: {  	[timem:s3], [sflag:s2] =	dma.local @!p0 [hbm:s0], s1  }
0x3f: {  	s0 =	simm.s32 @!p0 $0x2  }
0x40: {  	_ =	swait.ge @!p0 [sflag:s0], s1  }
0x41: {  	s1 =	ssub.s32 @!p0 $0x0, s1;
	[sflag:s0] =	ssyncset.done @!p0 $0x0  }
0x42: {  	[sflag:s0] =	ssyncadd.s32 @!p0 s1  }
0x43: {  	[bflag:$0x3] =	sbarrier.arrive $0xFFFF  }
0x44: {  	_ =	shalt  }

</sc_bundles>
